<compile_context>
chip_gen: v7x
topology: tpu7x:2x2x1
jax: 0.10.2.dev20260603
libtpu: 0.0.44.dev20260713+nightly
codegen_flags: <defaults>
</compile_context>

<pallas_src>
import functools

import numpy as np
import jax
import jax.numpy as jnp
from jax import lax
from jax.experimental import pallas as pl
from jax.experimental.pallas import tpu as pltpu
from jax.experimental.pallas import tpu_sc as plsc

_HIGH = lax.Precision.HIGHEST


def _dgT(x, w):
    return lax.dot_general(x, w, (((1,), (1,)), ((), ())),
                           precision=_HIGH, preferred_element_type=jnp.float32)


def _pe_const(t, d):
    pos = np.arange(t)[:, None].astype(np.float32)
    div = np.exp(np.arange(0, d, 2).astype(np.float32) * (-np.log(10000.0) / d))
    pe = np.zeros((t, d), dtype=np.float32)
    pe[:, 0::2] = np.sin(pos * div)
    pe[:, 1::2] = np.cos(pos * div)
    return jnp.asarray(pe)



def _sc_scan_gather(align, text, enc):
    B, T = align.shape
    D = enc.shape[2]
    assert B == 16
    CH = 64
    half_t = T // 2
    alignT = jnp.swapaxes(align, 0, 1).reshape(-1)
    mesh = plsc.VectorSubcoreMesh(core_axis_name="c", subcore_axis_name="s")

    @functools.partial(
        pl.kernel,
        mesh=mesh,
        compiler_params=pltpu.CompilerParams(needs_layout_passes=False),
        out_type=jax.ShapeDtypeStruct((B, T, D), jnp.float32),
        scratch_types=[
            pltpu.VMEM((T * 16,), jnp.int32),
            pltpu.VMEM((B, T), jnp.int32),
            pltpu.VMEM((T * 16,), jnp.int32),
            pltpu.VMEM((CH,), jnp.int32),
            pltpu.VMEM((CH, D), jnp.float32),
            pltpu.SemaphoreType.DMA,
        ],
    )
    def k(alignT_hbm, text_hbm, enc_hbm, out_hbm,
          alignT_v, text_v, indsT_v, idx_v, rows_v, sem):
        cid = lax.axis_index("c")
        sid = lax.axis_index("s")
        wid = sid * 2 + cid
        b = wid // 2
        half = wid % 2
        pltpu.sync_copy(alignT_hbm, alignT_v)
        pltpu.sync_copy(text_hbm, text_v)
        lane = lax.iota(jnp.int32, 16)
        zero16 = jnp.zeros((16,), jnp.int32)
        indsT_v[pl.ds(0, 16)] = zero16

        def scan_body(t, ind_vec):
            a = alignT_v[pl.ds(t * 16, 16)]
            tx = plsc.load_gather(text_v, [lane, ind_vec])
            ind_vec = ind_vec + jnp.where(a != tx, 1, 0).astype(jnp.int32)
            indsT_v[pl.ds(t * 16, 16)] = ind_vec
            return ind_vec

        lax.fori_loop(1, T, scan_body, zero16)

        base = half * half_t

        def chunk_body(ch, _):
            off = base + ch * CH
            for j in range(CH // 16):
                idx_v[pl.ds(j * 16, 16)] = plsc.load_gather(
                    indsT_v, [(off + j * 16 + lane) * 16 + b])
            pltpu.async_copy(enc_hbm.at[b].at[idx_v], rows_v, sem).wait()
            pltpu.sync_copy(rows_v, out_hbm.at[b].at[pl.ds(off, CH)])
            return 0

        lax.fori_loop(0, half_t // CH, chunk_body, 0)

    return k(alignT, text, enc)



def _tc_precompute(W_pos, W_out, small, b_out_row, emb_singer, pe):
    D = W_pos.shape[0]
    T = pe.shape[0]

    def body(wpos_ref, wout_ref, small_ref, bout_ref, sing_ref, pe_ref,
             a2_ref, pe2_ref, s2_ref, misc_ref):
        W1 = wout_ref[:, :D]
        W2 = wout_ref[:, D:]
        Wp = wpos_ref[...]
        a2_ref[...] = W1 + jnp.dot(W1, Wp, precision=_HIGH,
                                   preferred_element_type=jnp.float32)
        m8 = _dgT(small_ref[...], W1)
        misc_ref[...] = m8
        pe2_ref[...] = _dgT(_dgT(pe_ref[...], Wp), W1) + m8[1:2, :] + bout_ref[...]
        s2_ref[...] = _dgT(sing_ref[...], W2)

    return pl.pallas_call(
        body,
        out_shape=(
            jax.ShapeDtypeStruct((D, D), jnp.float32),
            jax.ShapeDtypeStruct((T, D), jnp.float32),
            jax.ShapeDtypeStruct((emb_singer.shape[0], D), jnp.float32),
            jax.ShapeDtypeStruct((8, D), jnp.float32),
        ),
    )(W_pos, W_out, small, b_out_row, emb_singer, pe)



def _tc_main(G, S, PE2c, A2, S2, misc):
    B, T, D = G.shape
    TILE = 512
    NS = S2.shape[0]

    def body(g_ref, s_ref, pe2_ref, a2_ref, s2_ref, misc_ref, o_ref):
        g = g_ref[0]
        acc = _dgT(g, a2_ref[...])
        acc = acc + pe2_ref[...]
        sc = s_ref[0]
        acc = acc + sc[:, 0:1] * misc_ref[0:1, :]
        acc = acc + sc[:, 1:2] * misc_ref[2:3, :]
        oneh = (sc[:, 2:3].astype(jnp.int32)
                == lax.broadcasted_iota(jnp.int32, (1, NS), 1))
        acc = acc + jnp.dot(oneh.astype(jnp.float32), s2_ref[...],
                            precision=_HIGH, preferred_element_type=jnp.float32)
        o_ref[0] = jnp.where(acc >= 0, acc, 0.01 * acc)

    return pl.pallas_call(
        body,
        grid=(B, T // TILE),
        in_specs=[
            pl.BlockSpec((1, TILE, D), lambda b, t: (b, t, 0)),
            pl.BlockSpec((1, TILE, 4), lambda b, t: (b, t, 0)),
            pl.BlockSpec((TILE, D), lambda b, t: (t, 0)),
            pl.BlockSpec((D, D), lambda b, t: (0, 0)),
            pl.BlockSpec((NS, D), lambda b, t: (0, 0)),
            pl.BlockSpec((8, D), lambda b, t: (0, 0)),
        ],
        out_specs=pl.BlockSpec((1, TILE, D), lambda b, t: (b, t, 0)),
        out_shape=jax.ShapeDtypeStruct((B, T, D), jnp.float32),
    )(G, S, PE2c, A2, S2, misc)



def kernel(encoder_out, align_phone, text_phone, pitch, beats, singer_vec,
           W_pitch, b_pitch, W_pos, b_pos, emb_beats, emb_singer, W_out, b_out):
    B, T, D = encoder_out.shape
    pe = _pe_const(T, D)

    G = _sc_scan_gather(align_phone.astype(jnp.int32),
                        text_phone.astype(jnp.int32), encoder_out)

    small = jnp.zeros((8, D), jnp.float32)
    small = small.at[0].set(W_pitch[:, 0])
    small = small.at[1].set(b_pitch + b_pos + emb_beats[0])
    small = small.at[2].set(emb_beats[1] - emb_beats[0])
    A2, PE2c, S2, misc = _tc_precompute(W_pos, W_out, small,
                                        b_out.reshape(1, D), emb_singer, pe)

    S = jnp.concatenate(
        [pitch, beats.astype(jnp.float32), singer_vec.astype(jnp.float32),
         jnp.zeros_like(pitch)], axis=2)

    return _tc_main(G, S, PE2c, A2, S2, misc)

# --- scband reference (transcript-rebuilt; emitter-appended) ---
"""Pipeline reference for scband-encoder-postnet-combine-62904091017716 (READ-ONLY COPY).

The authoritative reference and input builder live on the scoring server;
editing this copy changes nothing except your own understanding.
"""

import jax, jax.numpy as jnp
import numpy as np

B, T, D = 16, 2048, 256
SINGER = 64
PHONE_MAX = 40


def sinusoid_pe(t, d):
    pos = np.arange(t)[:, None].astype(np.float32)
    div = np.exp(np.arange(0, d, 2).astype(np.float32) * (-np.log(10000.0) / d))
    pe = np.zeros((t, d), dtype=np.float32)
    pe[:, 0::2] = np.sin(pos * div)
    pe[:, 1::2] = np.cos(pos * div)
    return jnp.asarray(pe)


def _indices_one(align, text):
    align = align.astype(jnp.int32)
    text = text.astype(jnp.int32)

    def step(carry, a):
        ind, before = carry
        eq = a == before
        new_ind = jnp.where(eq, ind, ind + 1)
        new_before = jnp.where(eq, before, text[new_ind])
        return (new_ind, new_before), new_ind

    (_, _), inds = jax.lax.scan(step, (jnp.int32(0), text[0]), align[1:])
    return jnp.concatenate([jnp.zeros((1,), jnp.int32), inds])


def setup_inputs(seed: int = 0):
    key = jax.random.key(seed)
    ks = jax.random.split(key, 16)
    s = 1.0 / np.sqrt(D)
    inp = {
        "encoder_out": jax.random.normal(ks[0], (B, T, D), dtype=jnp.float32),
        "align_phone": jax.random.randint(ks[1], (B, T), 0, PHONE_MAX, dtype=jnp.int32),
        "text_phone": jax.random.randint(ks[2], (B, T), 0, PHONE_MAX, dtype=jnp.int32),
        "pitch": jax.random.normal(ks[3], (B, T, 1), dtype=jnp.float32),
        "beats": jax.random.randint(ks[4], (B, T, 1), 0, 2, dtype=jnp.int32),
        "singer_vec": jax.random.randint(ks[5], (B, T, 1), 0, SINGER, dtype=jnp.int32),
        "W_pitch": jax.random.uniform(ks[6], (D, 1), minval=-1.0, maxval=1.0, dtype=jnp.float32),
        "b_pitch": jax.random.uniform(ks[7], (D,), minval=-1.0, maxval=1.0, dtype=jnp.float32),
        "W_pos": jax.random.uniform(ks[8], (D, D), minval=-s, maxval=s, dtype=jnp.float32),
        "b_pos": jax.random.uniform(ks[9], (D,), minval=-s, maxval=s, dtype=jnp.float32),
        "emb_beats": jax.random.normal(ks[10], (2, D), dtype=jnp.float32),
        "emb_singer": jax.random.normal(ks[11], (SINGER, D), dtype=jnp.float32),
        "W_out": jax.random.uniform(ks[12], (D, 2 * D), minval=-s / np.sqrt(2.0), maxval=s / np.sqrt(2.0), dtype=jnp.float32),
        "b_out": jax.random.uniform(ks[13], (D,), minval=-s / np.sqrt(2.0), maxval=s / np.sqrt(2.0), dtype=jnp.float32),
    }
    return inp


def reference(encoder_out, align_phone, text_phone, pitch, beats, singer_vec,
              W_pitch, b_pitch, W_pos, b_pos, emb_beats, emb_singer, W_out, b_out):
    # aligner: expand encoder frames according to phone alignment (gather)
    inds = jax.vmap(_indices_one)(align_phone, text_phone)
    aligner_out = jnp.take_along_axis(encoder_out, inds[:, :, None].astype(jnp.int32), axis=1)
    # pitch projection
    pitch_e = pitch @ W_pitch.T + b_pitch
    out = aligner_out + pitch_e
    # beats embedding lookup
    out = out + jnp.take(emb_beats, beats[..., 0], axis=0)
    # positional encoding applied to aligner_out (transpose in torch is a no-op for the math here)
    pe = sinusoid_pe(aligner_out.shape[1], aligner_out.shape[2])
    pos_encode = aligner_out + pe[None, :, :]
    pos_out = pos_encode @ W_pos.T + b_pos
    out = out + pos_out
    # singer embedding lookup
    singer_e = jnp.take(emb_singer, singer_vec[..., 0], axis=0)
    out = jnp.concatenate([out, singer_e], axis=2)
    out = out @ W_out.T + b_out
    return jax.nn.leaky_relu(out, negative_slope=0.01)

if __name__ == "__main__":
    import jax
    _d = setup_inputs()
    print(jax.jit(kernel)(*tuple(_d.values())))

</pallas_src>

<mosaic_0001>
#map = affine_map<(d0, d1) -> (0)>
#map1 = affine_map<(d0, d1) -> (0, 0)>
#map2 = affine_map<(d0, d1) -> (0, 0, 0)>
module attributes {stable_mosaic.version = 14 : i64} {
  func.func @k(%arg0: i32, %arg1: i32, %arg2: memref<32768xi32, #tpu.memory_space<hbm>>, %arg3: memref<16x2048xi32, #tpu.memory_space<hbm>>, %arg4: memref<16x2048x256xf32, #tpu.memory_space<hbm>>, %arg5: memref<16x2048x256xf32, #tpu.memory_space<hbm>>, %arg6: memref<32768xi32, #tpu.memory_space<vmem>>, %arg7: memref<16x2048xi32, #tpu.memory_space<vmem>>, %arg8: memref<32768xi32, #tpu.memory_space<vmem>>, %arg9: memref<64xi32, #tpu.memory_space<vmem>>, %arg10: memref<64x256xf32, #tpu.memory_space<vmem>>, %arg11: memref<!tpu.dma_semaphore, #tpu.memory_space<semaphore_mem>>) attributes {dimension_semantics = [#tpu.dimension_semantics<core_parallel>, #tpu.dimension_semantics<subcore_parallel>], iteration_bounds = array<i64: 2, 16>, scalar_prefetch = 0 : i64, scratch_operands = 6 : i64, tpu.core_type = #tpu.core_type<sc_vector_subcore>, window_params = [{transform_indices = #map}, {transform_indices = #map1}, {transform_indices = #map2}, {transform_indices = #map2}]} {
    %mul3A = arith.constant 2 : i32
    %mul3A_0 = arith.muli %arg1, %mul3A : i32
    %add3A = arith.addi %mul3A_0, %arg0 : i32
    %jit3A = arith.constant 2 : i32
    %div3A = arith.divsi %add3A, %jit3A : i32
    %sign3A = arith.constant 0 : i32
    %sign3A_1 = arith.cmpi sgt, %add3A, %sign3A : i32
    %sign3A_2 = arith.extui %sign3A_1 : i1 to i32
    %sign3A_3 = arith.constant 0 : i32
    %sign3A_4 = arith.cmpi slt, %add3A, %sign3A_3 : i32
    %sign3A_5 = arith.extui %sign3A_4 : i1 to i32
    %sign3A_6 = arith.subi %sign3A_2, %sign3A_5 : i32
    %sign3A_7 = arith.constant 0 : i32
    %sign3A_8 = arith.cmpi sgt, %jit3A, %sign3A_7 : i32
    %sign3A_9 = arith.extui %sign3A_8 : i1 to i32
    %sign3A_10 = arith.constant 0 : i32
    %sign3A_11 = arith.cmpi slt, %jit3A, %sign3A_10 : i32
    %sign3A_12 = arith.extui %sign3A_11 : i1 to i32
    %sign3A_13 = arith.subi %sign3A_9, %sign3A_12 : i32
    %ne3A = arith.cmpi ne, %sign3A_6, %sign3A_13 : i32
    %rem3A = arith.remsi %add3A, %jit3A : i32
    %ne3A_14 = arith.constant 0 : i32
    %ne3A_15 = arith.cmpi ne, %rem3A, %ne3A_14 : i32
    %and3A = arith.andi %ne3A, %ne3A_15 : i1
    %sub3A = arith.constant 1 : i32
    %sub3A_16 = arith.subi %div3A, %sub3A : i32
    %select_n3A = arith.select %and3A, %sub3A_16, %div3A : i32
    %jit3A_17 = arith.constant 2 : i32
    %eq3A = arith.constant 0 : i32
    %eq3A_18 = arith.cmpi eq, %jit3A_17, %eq3A : i32
    %jit3A_19 = arith.constant 1 : i32
    %select_n3A_20 = arith.select %eq3A_18, %jit3A_19, %jit3A_17 : i32
    %rem3A_21 = arith.remsi %add3A, %select_n3A_20 : i32
    %ne3A_22 = arith.constant 0 : i32
    %ne3A_23 = arith.cmpi ne, %rem3A_21, %ne3A_22 : i32
    %lt3A = arith.constant 0 : i32
    %lt3A_24 = arith.cmpi slt, %rem3A_21, %lt3A : i32
    %lt3A_25 = arith.constant 0 : i32
    %lt3A_26 = arith.cmpi slt, %select_n3A_20, %lt3A_25 : i32
    %ne3A_27 = arith.xori %lt3A_24, %lt3A_26 : i1
    %and3A_28 = arith.andi %ne3A_27, %ne3A_23 : i1
    %add3A_29 = arith.addi %rem3A_21, %select_n3A_20 : i32
    %select_n3A_30 = arith.select %and3A_28, %add3A_29, %rem3A_21 : i32
    "tpu.region"() ({
      %run_scoped3A = tpu.sem_alloc : memref<!tpu.dma_semaphore, #tpu.memory_space<semaphore_mem>>
      tpu.enqueue_dma source(%arg2 : memref<32768xi32, #tpu.memory_space<hbm>>) target(%arg6 : memref<32768xi32, #tpu.memory_space<vmem>>) target_semaphore(%run_scoped3A : memref<!tpu.dma_semaphore, #tpu.memory_space<semaphore_mem>>)
      tpu.wait_dma2 semaphore(%run_scoped3A : memref<!tpu.dma_semaphore, #tpu.memory_space<semaphore_mem>>) src(%arg2 : memref<32768xi32, #tpu.memory_space<hbm>>) dst(%arg6 : memref<32768xi32, #tpu.memory_space<vmem>>)
      tpu.yield
    }) : () -> ()
    "tpu.region"() ({
      %run_scoped3A = tpu.sem_alloc : memref<!tpu.dma_semaphore, #tpu.memory_space<semaphore_mem>>
      tpu.enqueue_dma source(%arg3 : memref<16x2048xi32, #tpu.memory_space<hbm>>) target(%arg7 : memref<16x2048xi32, #tpu.memory_space<vmem>>) target_semaphore(%run_scoped3A : memref<!tpu.dma_semaphore, #tpu.memory_space<semaphore_mem>>)
      tpu.wait_dma2 semaphore(%run_scoped3A : memref<!tpu.dma_semaphore, #tpu.memory_space<semaphore_mem>>) src(%arg3 : memref<16x2048xi32, #tpu.memory_space<hbm>>) dst(%arg7 : memref<16x2048xi32, #tpu.memory_space<vmem>>)
      tpu.yield
    }) : () -> ()
    %iota3A = tpu.iota {dimensions = array<i32: 0>} : vector<16xi32>
    %broadcast_in_dim3A = arith.constant 0 : i32
    %broadcast_in_dim3A_31 = vector.broadcast %broadcast_in_dim3A : i32 to vector<16xi32>
    %swap3A = arith.constant 0 : index
    %swap3A_32 = tpu.vector_load %arg8[%swap3A] {strides = array<i32>} : memref<32768xi32, #tpu.memory_space<vmem>>, vector<16xi32>,
    tpu.vector_store %arg8[%swap3A], %broadcast_in_dim3A_31 {strides = array<i32>} : memref<32768xi32, #tpu.memory_space<vmem>>, vector<16xi32>,
    %scan3A = arith.constant 1 : i32
    %scan3A_33 = arith.constant 2047 : i32
    %scan3A_34 = arith.addi %scan3A, %scan3A_33 : i32
    %scan3A_35 = arith.constant 1 : i32
    %scan3A_36 = scf.for %scan3A_47 = %scan3A to %scan3A_34 step %scan3A_35 iter_args(%scan3A_48 = %broadcast_in_dim3A_31) -> (vector<16xi32>)  : i32 {
      %mul3A_49 = arith.constant 16 : i32
      %mul3A_50 = arith.muli %scan3A_47, %mul3A_49 : i32
      %get3A = arith.index_cast %mul3A_50 : i32 to index
      %get3A_51 = tpu.vector_load %arg6[%get3A] {strides = array<i32>} : memref<32768xi32, #tpu.memory_space<vmem>>, vector<16xi32>,
      %gather3A = tpu.vector_load_idx %arg7[%iota3A, %scan3A_48] : memref<16x2048xi32, #tpu.memory_space<vmem>>[vector<16xi32>, vector<16xi32>], vector<16xi32>,
      %ne3A_52 = arith.cmpi ne, %get3A_51, %gather3A : vector<16xi32>
      %jit3A_53 = arith.constant 1 : i32
      %jit3A_54 = arith.constant 0 : i32
      %broadcast_in_dim3A_55 = vector.broadcast %jit3A_53 : i32 to vector<16xi32>
      %broadcast_in_dim3A_56 = vector.broadcast %jit3A_54 : i32 to vector<16xi32>
      %select_n3A_57 = arith.select %ne3A_52, %broadcast_in_dim3A_55, %broadcast_in_dim3A_56 : vector<16xi1>, vector<16xi32>
      %add3A_58 = arith.addi %scan3A_48, %select_n3A_57 : vector<16xi32>
      %mul3A_59 = arith.constant 16 : i32
      %mul3A_60 = arith.muli %scan3A_47, %mul3A_59 : i32
      %swap3A_61 = arith.index_cast %mul3A_60 : i32 to index
      %swap3A_62 = tpu.vector_load %arg8[%swap3A_61] {strides = array<i32>} : memref<32768xi32, #tpu.memory_space<vmem>>, vector<16xi32>,
      tpu.vector_store %arg8[%swap3A_61], %add3A_58 {strides = array<i32>} : memref<32768xi32, #tpu.memory_space<vmem>>, vector<16xi32>,
      scf.yield %add3A_58 : vector<16xi32>
    }
    %scan3A_37 = arith.constant 2047 : i32
    %mul3A_38 = arith.constant 1024 : i32
    %mul3A_39 = arith.muli %select_n3A_30, %mul3A_38 : i32
    %scan3A_40 = arith.constant 0 : i32
    %scan3A_41 = arith.constant 0 : i32
    %scan3A_42 = arith.constant 16 : i32
    %scan3A_43 = arith.addi %scan3A_41, %scan3A_42 : i32
    %scan3A_44 = arith.constant 1 : i32
    %scan3A_45 = scf.for %scan3A_47 = %scan3A_41 to %scan3A_43 step %scan3A_44 iter_args(%scan3A_48 = %scan3A_40) -> (i32)  : i32 {
      %mul3A_49 = arith.constant 64 : i32
      %mul3A_50 = arith.muli %scan3A_47, %mul3A_49 : i32
      %add3A_51 = arith.addi %mul3A_39, %mul3A_50 : i32
      %add3A_52 = arith.constant 0 : i32
      %add3A_53 = arith.addi %add3A_51, %add3A_52 : i32
      %add3A_54 = vector.broadcast %add3A_53 : i32 to vector<16xi32>
      %add3A_55 = arith.addi %add3A_54, %iota3A : vector<16xi32>
      %mul3A_56 = arith.constant 16 : i32
      %mul3A_57 = vector.broadcast %mul3A_56 : i32 to vector<16xi32>
      %mul3A_58 = arith.muli %add3A_55, %mul3A_57 : vector<16xi32>
      %add3A_59 = vector.broadcast %select_n3A : i32 to vector<16xi32>
      %add3A_60 = arith.addi %mul3A_58, %add3A_59 : vector<16xi32>
      %gather3A = tpu.vector_load_idx %arg8[%add3A_60] : memref<32768xi32, #tpu.memory_space<vmem>>[vector<16xi32>], vector<16xi32>,
      %swap3A_61 = arith.constant 0 : index
      %swap3A_62 = tpu.vector_load %arg9[%swap3A_61] {strides = array<i32>} : memref<64xi32, #tpu.memory_space<vmem>>, vector<16xi32>,
      tpu.vector_store %arg9[%swap3A_61], %gather3A {strides = array<i32>} : memref<64xi32, #tpu.memory_space<vmem>>, vector<16xi32>,
      %add3A_63 = arith.constant 16 : i32
      %add3A_64 = arith.addi %add3A_51, %add3A_63 : i32
      %add3A_65 = vector.broadcast %add3A_64 : i32 to vector<16xi32>
      %add3A_66 = arith.addi %add3A_65, %iota3A : vector<16xi32>
      %mul3A_67 = arith.constant 16 : i32
      %mul3A_68 = vector.broadcast %mul3A_67 : i32 to vector<16xi32>
      %mul3A_69 = arith.muli %add3A_66, %mul3A_68 : vector<16xi32>
      %add3A_70 = vector.broadcast %select_n3A : i32 to vector<16xi32>
      %add3A_71 = arith.addi %mul3A_69, %add3A_70 : vector<16xi32>
      %gather3A_72 = tpu.vector_load_idx %arg8[%add3A_71] : memref<32768xi32, #tpu.memory_space<vmem>>[vector<16xi32>], vector<16xi32>,
      %swap3A_73 = arith.constant 16 : index
      %swap3A_74 = tpu.vector_load %arg9[%swap3A_73] {strides = array<i32>} : memref<64xi32, #tpu.memory_space<vmem>>, vector<16xi32>,
      tpu.vector_store %arg9[%swap3A_73], %gather3A_72 {strides = array<i32>} : memref<64xi32, #tpu.memory_space<vmem>>, vector<16xi32>,
      %add3A_75 = arith.constant 32 : i32
      %add3A_76 = arith.addi %add3A_51, %add3A_75 : i32
      %add3A_77 = vector.broadcast %add3A_76 : i32 to vector<16xi32>
      %add3A_78 = arith.addi %add3A_77, %iota3A : vector<16xi32>
      %mul3A_79 = arith.constant 16 : i32
      %mul3A_80 = vector.broadcast %mul3A_79 : i32 to vector<16xi32>
      %mul3A_81 = arith.muli %add3A_78, %mul3A_80 : vector<16xi32>
      %add3A_82 = vector.broadcast %select_n3A : i32 to vector<16xi32>
      %add3A_83 = arith.addi %mul3A_81, %add3A_82 : vector<16xi32>
      %gather3A_84 = tpu.vector_load_idx %arg8[%add3A_83] : memref<32768xi32, #tpu.memory_space<vmem>>[vector<16xi32>], vector<16xi32>,
      %swap3A_85 = arith.constant 32 : index
      %swap3A_86 = tpu.vector_load %arg9[%swap3A_85] {strides = array<i32>} : memref<64xi32, #tpu.memory_space<vmem>>, vector<16xi32>,
      tpu.vector_store %arg9[%swap3A_85], %gather3A_84 {strides = array<i32>} : memref<64xi32, #tpu.memory_space<vmem>>, vector<16xi32>,
      %add3A_87 = arith.constant 48 : i32
      %add3A_88 = arith.addi %add3A_51, %add3A_87 : i32
      %add3A_89 = vector.broadcast %add3A_88 : i32 to vector<16xi32>
      %add3A_90 = arith.addi %add3A_89, %iota3A : vector<16xi32>
      %mul3A_91 = arith.constant 16 : i32
      %mul3A_92 = vector.broadcast %mul3A_91 : i32 to vector<16xi32>
      %mul3A_93 = arith.muli %add3A_90, %mul3A_92 : vector<16xi32>
      %add3A_94 = vector.broadcast %select_n3A : i32 to vector<16xi32>
      %add3A_95 = arith.addi %mul3A_93, %add3A_94 : vector<16xi32>
      %gather3A_96 = tpu.vector_load_idx %arg8[%add3A_95] : memref<32768xi32, #tpu.memory_space<vmem>>[vector<16xi32>], vector<16xi32>,
      %swap3A_97 = arith.constant 48 : index
      %swap3A_98 = tpu.vector_load %arg9[%swap3A_97] {strides = array<i32>} : memref<64xi32, #tpu.memory_space<vmem>>, vector<16xi32>,
      tpu.vector_store %arg9[%swap3A_97], %gather3A_96 {strides = array<i32>} : memref<64xi32, #tpu.memory_space<vmem>>, vector<16xi32>,
      %dma_start3A = arith.constant 0 : i32
      %dma_start3A_99 = arith.constant 0 : i32
      %dma_start3A_100 = tpu.memref_slice %arg4[%select_n3A, %dma_start3A, %dma_start3A_99] : memref<16x2048x256xf32, #tpu.memory_space<hbm>> -> memref<1x2048x256xf32, #tpu.memory_space<hbm>>
      %dma_start3A_101 = tpu.memref_squeeze %dma_start3A_100 : memref<1x2048x256xf32, #tpu.memory_space<hbm>> -> memref<2048x256xf32, #tpu.memory_space<hbm>>
      %dma_start3A_102 = arith.constant 0 : i32
      %dma_start3A_103 = arith.constant 0 : i32
      %dma_start3A_104 = tpu.memref_slice %dma_start3A_101[%dma_start3A_102, %dma_start3A_103] : memref<2048x256xf32, #tpu.memory_space<hbm>> -> memref<2048x256xf32, #tpu.memory_space<hbm>>
      tpu.enqueue_indirect_dma source(%dma_start3A_104 : memref<2048x256xf32, #tpu.memory_space<hbm>>) target(%arg10 : memref<64x256xf32, #tpu.memory_space<vmem>>) offsets(%arg9 : memref<64xi32, #tpu.memory_space<vmem>>) semaphore(%arg11 : memref<!tpu.dma_semaphore, #tpu.memory_space<semaphore_mem>>)
      %dma_wait3A = arith.constant 0 : i32
      %dma_wait3A_105 = arith.constant 0 : i32
      %dma_wait3A_106 = tpu.memref_slice %arg4[%select_n3A, %dma_wait3A, %dma_wait3A_105] : memref<16x2048x256xf32, #tpu.memory_space<hbm>> -> memref<1x2048x256xf32, #tpu.memory_space<hbm>>
      %dma_wait3A_107 = tpu.memref_squeeze %dma_wait3A_106 : memref<1x2048x256xf32, #tpu.memory_space<hbm>> -> memref<2048x256xf32, #tpu.memory_space<hbm>>
      %dma_wait3A_108 = arith.constant 0 : i32
      %dma_wait3A_109 = arith.constant 0 : i32
      %dma_wait3A_110 = tpu.memref_slice %dma_wait3A_107[%dma_wait3A_108, %dma_wait3A_109] : memref<2048x256xf32, #tpu.memory_space<hbm>> -> memref<2048x256xf32, #tpu.memory_space<hbm>>
      tpu.wait_indirect_dma semaphore(%arg11 : memref<!tpu.dma_semaphore, #tpu.memory_space<semaphore_mem>>) src(%dma_wait3A_110 : memref<2048x256xf32, #tpu.memory_space<hbm>>) dst(%arg10 : memref<64x256xf32, #tpu.memory_space<vmem>>)
      "tpu.region"() ({
        %run_scoped3A = tpu.sem_alloc : memref<!tpu.dma_semaphore, #tpu.memory_space<semaphore_mem>>
        %dma_start3A_112 = arith.constant 0 : i32
        %dma_start3A_113 = arith.constant 0 : i32
        %dma_start3A_114 = tpu.memref_slice %arg5[%select_n3A, %dma_start3A_112, %dma_start3A_113] : memref<16x2048x256xf32, #tpu.memory_space<hbm>> -> memref<1x2048x256xf32, #tpu.memory_space<hbm>>
        %dma_start3A_115 = tpu.memref_squeeze %dma_start3A_114 : memref<1x2048x256xf32, #tpu.memory_space<hbm>> -> memref<2048x256xf32, #tpu.memory_space<hbm>>
        %dma_start3A_116 = arith.constant 0 : i32
        %dma_start3A_117 = tpu.memref_slice %dma_start3A_115[%add3A_51, %dma_start3A_116] : memref<2048x256xf32, #tpu.memory_space<hbm>> -> memref<64x256xf32, #tpu.memory_space<hbm>>
        %dma_start3A_118 = arith.constant 0 : i32
        %dma_start3A_119 = arith.constant 0 : i32
        %dma_start3A_120 = tpu.memref_slice %arg5[%select_n3A, %dma_start3A_118, %dma_start3A_119] : memref<16x2048x256xf32, #tpu.memory_space<hbm>> -> memref<1x2048x256xf32, #tpu.memory_space<hbm>>
        %dma_start3A_121 = tpu.memref_squeeze %dma_start3A_120 : memref<1x2048x256xf32, #tpu.memory_space<hbm>> -> memref<2048x256xf32, #tpu.memory_space<hbm>>
        %dma_start3A_122 = arith.constant 0 : i32
        %dma_start3A_123 = tpu.memref_slice %dma_start3A_121[%add3A_51, %dma_start3A_122] : memref<2048x256xf32, #tpu.memory_space<hbm>> -> memref<64x256xf32, #tpu.memory_space<hbm>>
        tpu.enqueue_dma source(%arg10 : memref<64x256xf32, #tpu.memory_space<vmem>>) target(%dma_start3A_123 : memref<64x256xf32, #tpu.memory_space<hbm>>) target_semaphore(%run_scoped3A : memref<!tpu.dma_semaphore, #tpu.memory_space<semaphore_mem>>)
        %dma_wait3A_124 = arith.constant 0 : i32
        %dma_wait3A_125 = arith.constant 0 : i32
        %dma_wait3A_126 = tpu.memref_slice %arg5[%select_n3A, %dma_wait3A_124, %dma_wait3A_125] : memref<16x2048x256xf32, #tpu.memory_space<hbm>> -> memref<1x2048x256xf32, #tpu.memory_space<hbm>>
        %dma_wait3A_127 = tpu.memref_squeeze %dma_wait3A_126 : memref<1x2048x256xf32, #tpu.memory_space<hbm>> -> memref<2048x256xf32, #tpu.memory_space<hbm>>
        %dma_wait3A_128 = arith.constant 0 : i32
        %dma_wait3A_129 = tpu.memref_slice %dma_wait3A_127[%add3A_51, %dma_wait3A_128] : memref<2048x256xf32, #tpu.memory_space<hbm>> -> memref<64x256xf32, #tpu.memory_space<hbm>>
        %dma_wait3A_130 = arith.constant 0 : i32
        %dma_wait3A_131 = arith.constant 0 : i32
        %dma_wait3A_132 = tpu.memref_slice %arg5[%select_n3A, %dma_wait3A_130, %dma_wait3A_131] : memref<16x2048x256xf32, #tpu.memory_space<hbm>> -> memref<1x2048x256xf32, #tpu.memory_space<hbm>>
        %dma_wait3A_133 = tpu.memref_squeeze %dma_wait3A_132 : memref<1x2048x256xf32, #tpu.memory_space<hbm>> -> memref<2048x256xf32, #tpu.memory_space<hbm>>
        %dma_wait3A_134 = arith.constant 0 : i32
        %dma_wait3A_135 = tpu.memref_slice %dma_wait3A_133[%add3A_51, %dma_wait3A_134] : memref<2048x256xf32, #tpu.memory_space<hbm>> -> memref<64x256xf32, #tpu.memory_space<hbm>>
        tpu.wait_dma2 semaphore(%run_scoped3A : memref<!tpu.dma_semaphore, #tpu.memory_space<semaphore_mem>>) src(%arg10 : memref<64x256xf32, #tpu.memory_space<vmem>>) dst(%dma_wait3A_135 : memref<64x256xf32, #tpu.memory_space<hbm>>)
        tpu.yield
      }) : () -> ()
      %scan3A_111 = arith.constant 0 : i32
      scf.yield %scan3A_111 : i32
    }
    %scan3A_46 = arith.constant 16 : i32
    return
  }
}

module attributes {stable_mosaic.version = 14 : i64} {
  func.func @body(%arg0: memref<256x256xf32, #tpu.memory_space<vmem>>, %arg1: memref<256x512xf32, #tpu.memory_space<vmem>>, %arg2: memref<8x256xf32, #tpu.memory_space<vmem>>, %arg3: memref<1x256xf32, #tpu.memory_space<vmem>>, %arg4: memref<64x256xf32, #tpu.memory_space<vmem>>, %arg5: memref<2048x256xf32, #tpu.memory_space<vmem>>, %arg6: memref<256x256xf32, #tpu.memory_space<vmem>>, %arg7: memref<2048x256xf32, #tpu.memory_space<vmem>>, %arg8: memref<64x256xf32, #tpu.memory_space<vmem>>, %arg9: memref<8x256xf32, #tpu.memory_space<vmem>>) attributes {dimension_semantics = [], scalar_prefetch = 0 : i64, scratch_operands = 0 : i64, tpu.core_type = #tpu.core_type<tc>} {
    %get3A = arith.constant 0 : index
    %get3A_0 = arith.constant 0 : index
    %get3A_1 = vector.load %arg1[%get3A, %get3A_0] : memref<256x512xf32, #tpu.memory_space<vmem>>, vector<256x256xf32>
    %get3A_2 = arith.constant 0 : index
    %get3A_3 = arith.constant 256 : index
    %get3A_4 = vector.load %arg1[%get3A_2, %get3A_3] : memref<256x512xf32, #tpu.memory_space<vmem>>, vector<256x256xf32>
    %get3A_5 = arith.constant 0 : index
    %get3A_6 = arith.constant 0 : index
    %get3A_7 = vector.load %arg0[%get3A_5, %get3A_6] : memref<256x256xf32, #tpu.memory_space<vmem>>, vector<256x256xf32>
    %dot_general3A = arith.constant dense<0.000000e+00> : vector<256x256xf32>
    %dot_general3A_8 = tpu.matmul %get3A_1, %get3A_7, %dot_general3A {dimension_numbers = #tpu.dot_dimension_numbers<[1], [0], [0], [1], [0, 0, 1, 1], [], []>, precision = #tpu.contract_precision<fp32>, transpose_lhs_hint = false} : vector<256x256xf32>, vector<256x256xf32>, vector<256x256xf32> -> vector<256x256xf32>
    %add3A = arith.addf %get3A_1, %dot_general3A_8 : vector<256x256xf32>
    %swap3A = arith.constant 0 : index
    %swap3A_9 = arith.constant 0 : index
    %swap3A_10 = vector.load %arg6[%swap3A, %swap3A_9] : memref<256x256xf32, #tpu.memory_space<vmem>>, vector<256x256xf32>
    tpu.vector_store %arg6[%swap3A, %swap3A_9], %add3A {strides = array<i32>} : memref<256x256xf32, #tpu.memory_space<vmem>>, vector<256x256xf32>,
    %get3A_11 = arith.constant 0 : index
    %get3A_12 = arith.constant 0 : index
    %get3A_13 = vector.load %arg2[%get3A_11, %get3A_12] : memref<8x256xf32, #tpu.memory_space<vmem>>, vector<8x256xf32>
    %dot_general3A_14 = arith.constant dense<0.000000e+00> : vector<8x256xf32>
    %dot_general3A_15 = tpu.matmul %get3A_13, %get3A_1, %dot_general3A_14 {dimension_numbers = #tpu.dot_dimension_numbers<[1], [1], [0], [0], [0, 0, 1, 0], [], []>, precision = #tpu.contract_precision<fp32>, transpose_lhs_hint = false} : vector<8x256xf32>, vector<256x256xf32>, vector<8x256xf32> -> vector<8x256xf32>
    %swap3A_16 = arith.constant 0 : index
    %swap3A_17 = arith.constant 0 : index
    %swap3A_18 = vector.load %arg9[%swap3A_16, %swap3A_17] : memref<8x256xf32, #tpu.memory_space<vmem>>, vector<8x256xf32>
    tpu.vector_store %arg9[%swap3A_16, %swap3A_17], %dot_general3A_15 {strides = array<i32>} : memref<8x256xf32, #tpu.memory_space<vmem>>, vector<8x256xf32>,
    %get3A_19 = arith.constant 0 : index
    %get3A_20 = arith.constant 0 : index
    %get3A_21 = vector.load %arg5[%get3A_19, %get3A_20] : memref<2048x256xf32, #tpu.memory_space<vmem>>, vector<2048x256xf32>
    %dot_general3A_22 = arith.constant dense<0.000000e+00> : vector<2048x256xf32>
    %dot_general3A_23 = tpu.matmul %get3A_21, %get3A_7, %dot_general3A_22 {dimension_numbers = #tpu.dot_dimension_numbers<[1], [1], [0], [0], [0, 0, 1, 0], [], []>, precision = #tpu.contract_precision<fp32>, transpose_lhs_hint = false} : vector<2048x256xf32>, vector<256x256xf32>, vector<2048x256xf32> -> vector<2048x256xf32>
    %dot_general3A_24 = arith.constant dense<0.000000e+00> : vector<2048x256xf32>
    %dot_general3A_25 = tpu.matmul %dot_general3A_23, %get3A_1, %dot_general3A_24 {dimension_numbers = #tpu.dot_dimension_numbers<[1], [1], [0], [0], [0, 0, 1, 0], [], []>, precision = #tpu.contract_precision<fp32>, transpose_lhs_hint = false} : vector<2048x256xf32>, vector<256x256xf32>, vector<2048x256xf32> -> vector<2048x256xf32>
    %slice3A = vector.extract_strided_slice %dot_general3A_15 {offsets = [1, 0], sizes = [1, 256], strides = [1, 1]} : vector<8x256xf32> to vector<1x256xf32>
    %add3A_26 = vector.broadcast %slice3A : vector<1x256xf32> to vector<2048x256xf32>
    %add3A_27 = arith.addf %dot_general3A_25, %add3A_26 : vector<2048x256xf32>
    %get3A_28 = arith.constant 0 : index
    %get3A_29 = arith.constant 0 : index
    %get3A_30 = vector.load %arg3[%get3A_28, %get3A_29] : memref<1x256xf32, #tpu.memory_space<vmem>>, vector<1x256xf32>
    %add3A_31 = vector.broadcast %get3A_30 : vector<1x256xf32> to vector<2048x256xf32>
    %add3A_32 = arith.addf %add3A_27, %add3A_31 : vector<2048x256xf32>
    %swap3A_33 = arith.constant 0 : index
    %swap3A_34 = arith.constant 0 : index
    %swap3A_35 = vector.load %arg7[%swap3A_33, %swap3A_34] : memref<2048x256xf32, #tpu.memory_space<vmem>>, vector<2048x256xf32>
    tpu.vector_store %arg7[%swap3A_33, %swap3A_34], %add3A_32 {strides = array<i32>} : memref<2048x256xf32, #tpu.memory_space<vmem>>, vector<2048x256xf32>,
    %get3A_36 = arith.constant 0 : index
    %get3A_37 = arith.constant 0 : index
    %get3A_38 = vector.load %arg4[%get3A_36, %get3A_37] : memref<64x256xf32, #tpu.memory_space<vmem>>, vector<64x256xf32>
    %dot_general3A_39 = arith.constant dense<0.000000e+00> : vector<64x256xf32>
    %dot_general3A_40 = tpu.matmul %get3A_38, %get3A_4, %dot_general3A_39 {dimension_numbers = #tpu.dot_dimension_numbers<[1], [1], [0], [0], [0, 0, 1, 0], [], []>, precision = #tpu.contract_precision<fp32>, transpose_lhs_hint = false} : vector<64x256xf32>, vector<256x256xf32>, vector<64x256xf32> -> vector<64x256xf32>
    %swap3A_41 = arith.constant 0 : index
    %swap3A_42 = arith.constant 0 : index
    %swap3A_43 = vector.load %arg8[%swap3A_41, %swap3A_42] : memref<64x256xf32, #tpu.memory_space<vmem>>, vector<64x256xf32>
    tpu.vector_store %arg8[%swap3A_41, %swap3A_42], %dot_general3A_40 {strides = array<i32>} : memref<64x256xf32, #tpu.memory_space<vmem>>, vector<64x256xf32>,
    return
  }
}

module attributes {stable_mosaic.version = 14 : i64} {
  func.func @body(%arg0: i32, %arg1: i32, %arg2: memref<1x512x256xf32, #tpu.memory_space<vmem>>, %arg3: memref<1x512x4xf32, #tpu.memory_space<vmem>>, %arg4: memref<512x256xf32, #tpu.memory_space<vmem>>, %arg5: memref<256x256xf32, #tpu.memory_space<vmem>>, %arg6: memref<64x256xf32, #tpu.memory_space<vmem>>, %arg7: memref<8x256xf32, #tpu.memory_space<vmem>>, %arg8: memref<1x512x256xf32, #tpu.memory_space<vmem>>) attributes {dimension_semantics = [#tpu.dimension_semantics<arbitrary>, #tpu.dimension_semantics<arbitrary>], iteration_bounds = array<i64: 16, 4>, scalar_prefetch = 0 : i64, scratch_operands = 0 : i64, tpu.core_type = #tpu.core_type<tc>, window_params = [{transform_indices = @transform_0, window_bounds = array<i64: 1, 512, 256>}, {transform_indices = @transform_1, window_bounds = array<i64: 1, 512, 4>}, {transform_indices = @transform_2, window_bounds = array<i64: 512, 256>}, {pipeline_mode = #tpu.pipeline_mode<synchronous>, transform_indices = @transform_3, window_bounds = array<i64: 256, 256>}, {pipeline_mode = #tpu.pipeline_mode<synchronous>, transform_indices = @transform_4, window_bounds = array<i64: 64, 256>}, {pipeline_mode = #tpu.pipeline_mode<synchronous>, transform_indices = @transform_5, window_bounds = array<i64: 8, 256>}, {transform_indices = @transform_6, window_bounds = array<i64: 1, 512, 256>}]} {
    %get3A = arith.constant 0 : index
    %get3A_0 = arith.constant 0 : index
    %get3A_1 = arith.constant 0 : index
    %get3A_2 = vector.load %arg2[%get3A, %get3A_0, %get3A_1] : memref<1x512x256xf32, #tpu.memory_space<vmem>>, vector<1x512x256xf32>
    %get3A_3 = vector.shape_cast %get3A_2 : vector<1x512x256xf32> to vector<512x256xf32>
    %get3A_4 = arith.constant 0 : index
    %get3A_5 = arith.constant 0 : index
    %get3A_6 = vector.load %arg5[%get3A_4, %get3A_5] : memref<256x256xf32, #tpu.memory_space<vmem>>, vector<256x256xf32>
    %dot_general3A = arith.constant dense<0.000000e+00> : vector<512x256xf32>
    %dot_general3A_7 = tpu.matmul %get3A_3, %get3A_6, %dot_general3A {dimension_numbers = #tpu.dot_dimension_numbers<[1], [1], [0], [0], [0, 0, 1, 0], [], []>, precision = #tpu.contract_precision<fp32>, transpose_lhs_hint = false} : vector<512x256xf32>, vector<256x256xf32>, vector<512x256xf32> -> vector<512x256xf32>
    %get3A_8 = arith.constant 0 : index
    %get3A_9 = arith.constant 0 : index
    %get3A_10 = vector.load %arg4[%get3A_8, %get3A_9] : memref<512x256xf32, #tpu.memory_space<vmem>>, vector<512x256xf32>
    %add3A = arith.addf %dot_general3A_7, %get3A_10 : vector<512x256xf32>
    %get3A_11 = arith.constant 0 : index
    %get3A_12 = arith.constant 0 : index
    %get3A_13 = arith.constant 0 : index
    %get3A_14 = vector.load %arg3[%get3A_11, %get3A_12, %get3A_13] : memref<1x512x4xf32, #tpu.memory_space<vmem>>, vector<1x512x4xf32>
    %get3A_15 = vector.shape_cast %get3A_14 : vector<1x512x4xf32> to vector<512x4xf32>
    %slice3A = vector.extract_strided_slice %get3A_15 {offsets = [0, 0], sizes = [512, 1], strides = [1, 1]} : vector<512x4xf32> to vector<512x1xf32>
    %get3A_16 = arith.constant 0 : index
    %get3A_17 = arith.constant 0 : index
    %get3A_18 = vector.load %arg7[%get3A_16, %get3A_17] : memref<8x256xf32, #tpu.memory_space<vmem>>, vector<1x256xf32>
    %mul3A = vector.broadcast %slice3A : vector<512x1xf32> to vector<512x256xf32>
    %mul3A_19 = vector.broadcast %get3A_18 : vector<1x256xf32> to vector<512x256xf32>
    %mul3A_20 = arith.mulf %mul3A, %mul3A_19 : vector<512x256xf32>
    %add3A_21 = arith.addf %add3A, %mul3A_20 : vector<512x256xf32>
    %slice3A_22 = vector.extract_strided_slice %get3A_15 {offsets = [0, 1], sizes = [512, 1], strides = [1, 1]} : vector<512x4xf32> to vector<512x1xf32>
    %get3A_23 = arith.constant 2 : index
    %get3A_24 = arith.constant 0 : index
    %get3A_25 = vector.load %arg7[%get3A_23, %get3A_24] : memref<8x256xf32, #tpu.memory_space<vmem>>, vector<1x256xf32>
    %mul3A_26 = vector.broadcast %slice3A_22 : vector<512x1xf32> to vector<512x256xf32>
    %mul3A_27 = vector.broadcast %get3A_25 : vector<1x256xf32> to vector<512x256xf32>
    %mul3A_28 = arith.mulf %mul3A_26, %mul3A_27 : vector<512x256xf32>
    %add3A_29 = arith.addf %add3A_21, %mul3A_28 : vector<512x256xf32>
    %slice3A_30 = vector.extract_strided_slice %get3A_15 {offsets = [0, 2], sizes = [512, 1], strides = [1, 1]} : vector<512x4xf32> to vector<512x1xf32>
    %convert_element_type3A = arith.fptosi %slice3A_30 : vector<512x1xf32> to vector<512x1xi32>
    %iota3A = tpu.iota {dimensions = array<i32: 1>} : vector<1x64xi32>
    %eq3A = vector.broadcast %convert_element_type3A : vector<512x1xi32> to vector<512x64xi32>
    %eq3A_31 = vector.broadcast %iota3A : vector<1x64xi32> to vector<512x64xi32>
    %eq3A_32 = arith.cmpi eq, %eq3A, %eq3A_31 : vector<512x64xi32>
    %convert_element_type3A_33 = arith.extui %eq3A_32 : vector<512x64xi1> to vector<512x64xi32>
    %convert_element_type3A_34 = arith.sitofp %convert_element_type3A_33 : vector<512x64xi32> to vector<512x64xf32>
    %get3A_35 = arith.constant 0 : index
    %get3A_36 = arith.constant 0 : index
    %get3A_37 = vector.load %arg6[%get3A_35, %get3A_36] : memref<64x256xf32, #tpu.memory_space<vmem>>, vector<64x256xf32>
    %dot_general3A_38 = arith.constant dense<0.000000e+00> : vector<512x256xf32>
    %dot_general3A_39 = tpu.matmul %convert_element_type3A_34, %get3A_37, %dot_general3A_38 {dimension_numbers = #tpu.dot_dimension_numbers<[1], [0], [0], [1], [0, 0, 1, 1], [], []>, precision = #tpu.contract_precision<fp32>, transpose_lhs_hint = false} : vector<512x64xf32>, vector<64x256xf32>, vector<512x256xf32> -> vector<512x256xf32>
    %add3A_40 = arith.addf %add3A_29, %dot_general3A_39 : vector<512x256xf32>
    %ge3A = arith.constant 0.000000e+00 : f32
    %ge3A_41 = vector.broadcast %ge3A : f32 to vector<512x256xf32>
    %ge3A_42 = arith.cmpf oge, %add3A_40, %ge3A_41 : vector<512x256xf32>
    %mul3A_43 = arith.constant 0.00999999977 : f32
    %mul3A_44 = vector.broadcast %mul3A_43 : f32 to vector<512x256xf32>
    %mul3A_45 = arith.mulf %mul3A_44, %add3A_40 : vector<512x256xf32>
    %select_n3A = arith.select %ge3A_42, %add3A_40, %mul3A_45 : vector<512x256xi1>, vector<512x256xf32>
    %swap3A = arith.constant 0 : index
    %swap3A_46 = arith.constant 0 : index
    %swap3A_47 = arith.constant 0 : index
    %swap3A_48 = vector.load %arg8[%swap3A, %swap3A_46, %swap3A_47] : memref<1x512x256xf32, #tpu.memory_space<vmem>>, vector<1x512x256xf32>
    %swap3A_49 = vector.shape_cast %swap3A_48 : vector<1x512x256xf32> to vector<512x256xf32>
    %swap3A_50 = vector.shape_cast %select_n3A : vector<512x256xf32> to vector<1x512x256xf32>
    tpu.vector_store %arg8[%swap3A, %swap3A_46, %swap3A_47], %swap3A_50 {strides = array<i32>} : memref<1x512x256xf32, #tpu.memory_space<vmem>>, vector<1x512x256xf32>,
    return
  }
  func.func @transform_0(%arg0: i32, %arg1: i32) -> (i32, i32, i32) {
    %c0_i32 = arith.constant 0 : i32
    %c0_i32_0 = arith.constant 0 : i32
    return %arg0, %arg1, %c0_i32 : i32, i32, i32
  }
  func.func @transform_1(%arg0: i32, %arg1: i32) -> (i32, i32, i32) {
    %c0_i32 = arith.constant 0 : i32
    %c0_i32_0 = arith.constant 0 : i32
    return %arg0, %arg1, %c0_i32 : i32, i32, i32
  }
  func.func @transform_2(%arg0: i32, %arg1: i32) -> (i32, i32) {
    %c0_i32 = arith.constant 0 : i32
    %c0_i32_0 = arith.constant 0 : i32
    return %arg1, %c0_i32 : i32, i32
  }
  func.func @transform_3(%arg0: i32, %arg1: i32) -> (i32, i32) {
    %c0_i32 = arith.constant 0 : i32
    %c0_i32_0 = arith.constant 0 : i32
    %c0_i32_1 = arith.constant 0 : i32
    return %c0_i32, %c0_i32_0 : i32, i32
  }
  func.func @transform_4(%arg0: i32, %arg1: i32) -> (i32, i32) {
    %c0_i32 = arith.constant 0 : i32
    %c0_i32_0 = arith.constant 0 : i32
    %c0_i32_1 = arith.constant 0 : i32
    return %c0_i32, %c0_i32_0 : i32, i32
  }
  func.func @transform_5(%arg0: i32, %arg1: i32) -> (i32, i32) {
    %c0_i32 = arith.constant 0 : i32
    %c0_i32_0 = arith.constant 0 : i32
    %c0_i32_1 = arith.constant 0 : i32
    return %c0_i32, %c0_i32_0 : i32, i32
  }
  func.func @transform_6(%arg0: i32, %arg1: i32) -> (i32, i32, i32) {
    %c0_i32 = arith.constant 0 : i32
    %c0_i32_0 = arith.constant 0 : i32
    return %arg0, %arg1, %c0_i32 : i32, i32, i32
  }
}

</mosaic_0001>

<sc_bundles>
// kernel: kernel.5.cloned.1.call-start
scs
__scs_entry_jumppad:
0x0: {  	(pc) =	sbr.rel $0x88, $3  }
0x1: {  	(tag) =	ssettag $0x0;
	lr =	simm.s32 $0x1  }
0x2: {  	[smem:$0x3F93] =	sst lr;
	_ =	strace $0xD0000000  }
0x3: {  	_ = 	snop  }
0x4: {  	_ = 	snop  }
0x5: {  	_ = 	snop  }
0x6: {  	_ = 	snop  }
0x7: {  	_ = 	snop  }
__scs_overlays_trampoline_lowered:
0x8: {  	[smem:$0x3FA2] =	sst s0  }
0x9: {  	[smem:$0x3FA3] =	sst s1  }
0xa: {  	[smem:$0x3FA4] =	sst s2  }
0xb: {  	[smem:$0x3FA5] =	sst s3  }
0xc: {  	[smem:$0x3FA6] =	sst s4  }
0xd: {  	[smem:$0x3FA7] =	sst s5  }
0xe: {  	[smem:$0x3FA8] =	sst s6  }
0xf: {  	[smem:$0x3FA9] =	sst s7  }
0x10: {  	[smem:$0x3FAA] =	sst s8  }
0x11: {  	[smem:$0x3FAB] =	sst s9;
	s0 =	simm.s32 @!p0 $0x0  }
0x12: {  	s1 =	sld [smem:$0x3F91];
	s0 =	simm.s32 @p0 $0x1  }
0x13: {  	[smem:$0x3FAC] =	sst s0;
	s0 =	simm.s32 @!p1 $0x0  }
0x14: {  	s2 =	sld [smem:$0x3F90];
	s0 =	simm.s32 @p1 $0x1  }
0x15: {  	[smem:$0x3FAD] =	sst s0;
	s0 =	simm.s32 @!p2 $0x0  }
0x16: {  	s3 =	sld [smem:$0x3FDB];
	s0 =	simm.s32 @p2 $0x1  }
0x17: {  	s4 =	simm.s32 $0x1BF5;
	[smem:$0x3FAF] =	sst s0  }
0x18: {  	s0 =	sld [smem:$0x3F92];
	_ =	swait.ge [sflag:s4], $0x0  }
0x19: {  	s7 =	sld [smem:$0x3F93]  }
0x1a: {  	s8 =	sadd.s32 $0xFFFFE003, lr  }
0x1b: {  	s9 =	sadd.s32 $0xFFFFFEF7, lr;
	s5 =	simm.s32 $0xFFFFFFFF;
	p2 =	slt.u32 s8, $0xFFFFF086  }
0x1c: {  	p1 =	slt.u32 s9, $0xF7A;
	s5 =	simm.s32 @!p2 $0x0  }
0x1d: {  	s5 =	simm.s32 @p1 $0x1;
	p0 =	seq.s32 s7, s2  }
0x1e: {  	s7 =	smul.u32 @!p0 $0xF7A, s2;
	p2 =	seq.s32 @!p0 s5, $0x0  }
0x1f: {  	s9 =	smul.u32 $0xF7A, s1;
	s8 =	simm.s32 @!p0 $0x1BF5;
	p2 =	por !p2, p0  }
0x20: {  	[sflag:s8] =	ssyncset.s32 @!p0 $0xFFFFF086;
	s6 =	sadd.s32 @!p0 s3, s7;
	s7 =	simm.s32 @!p0 $0x108  }
0x21: {  	s3 =	sadd.s32 s3, s9;
	s6 =	sadd.s32 @!p0 $0x88, s6;
	s7 =	simm.s32 @p2 $0x1082  }
0x22: {  	[simem:s7], [sflag:s8] =	dma.local @!p0 [hbm:s6], $0xF7A  }
0x23: {  	s9 =	sor.u32 $0xD0000000, s2;
	s6 =	simm.s32 $0x108;
	_ =	swait.ge @!p0 [sflag:s8], $0x0  }
0x24: {  	s3 =	sadd.s32 $0x88, s3;
	s6 =	simm.s32 @!p1 $0x1082;
	[sflag:s4] =	ssyncset.s32 $0xFFFFF086  }
0x25: {  	[simem:s6], [sflag:s4] =	dma.local [hbm:s3], $0xF7A  }
0x26: {  	[smem:$0x3F93] =	sst s1;
	(tag) =	ssettag s2;
	_ =	strace s9  }
0x27: {  	s1 =	sld [smem:$0x3FA3]  }
0x28: {  	s2 =	sld [smem:$0x3FA4]  }
0x29: {  	s4 =	sld [smem:$0x3FA6]  }
0x2a: {  	p0 =	seq.s32 s5, $0x0;
	s5 =	sld [smem:$0x3FA7]  }
0x2b: {  	s6 =	sld [smem:$0x3FA8]  }
0x2c: {  	s7 =	sld [smem:$0x3FA9]  }
0x2d: {  	s3 =	simm.s32 $0x108;
	s8 =	sld [smem:$0x3FAA]  }
0x2e: {  	s3 =	simm.s32 @!p0 $0x1082;
	s9 =	sld [smem:$0x3FAB]  }
0x2f: {  	lr =	sadd.s32 s0, s3;
	s0 =	sld [smem:$0x3FA2]  }
0x30: {  	s3 =	sld [smem:$0x3FA5]  }
0x31: {  	[smem:$0x3FAE] =	sst s10  }
0x32: {  	s10 =	sld [smem:$0x3FAC];
	_ =	sdelay $0x3  }
0x33: {  	p0 =	seq.s32 s10, $0x1;
	s10 =	sld [smem:$0x3FAE];
	_ =	sdelay $0x3  }
0x34: {  	[smem:$0x3FAE] =	sst s10  }
0x35: {  	s10 =	sld [smem:$0x3FAD];
	_ =	sdelay $0x3  }
0x36: {  	p1 =	seq.s32 s10, $0x1;
	s10 =	sld [smem:$0x3FAE];
	_ =	sdelay $0x3  }
0x37: {  	[smem:$0x3FAE] =	sst s10  }
0x38: {  	s10 =	sld [smem:$0x3FAF]  }
0x39: {  	_ = 	snop;
	(pc) =	sbr.ind lr, $3  }
0x3a: {  	_ = 	snop  }
0x3b: {  	_ = 	snop  }
0x3c: {  	p2 =	seq.s32 s10, $0x1;
	s10 =	sld [smem:$0x3FAE]  }
0x3d: {  	_ =	shalt  }
0x3e: {  	_ =	shalt  }
0x3f: {  	_ =	shalt  }
0x40: {  	_ =	shalt  }
0x41: {  	_ =	shalt  }
0x42: {  	_ =	shalt  }
0x43: {  	_ =	shalt  }
0x44: {  	_ =	shalt  }
0x45: {  	_ =	shalt  }
0x46: {  	_ =	shalt  }
0x47: {  	_ =	shalt  }
0x48: {  	_ =	shalt  }
0x49: {  	_ =	shalt  }
0x4a: {  	_ =	shalt  }
0x4b: {  	_ =	shalt  }
0x4c: {  	_ =	shalt  }
0x4d: {  	_ =	shalt  }
0x4e: {  	_ =	shalt  }
0x4f: {  	_ =	shalt  }
0x50: {  	_ =	shalt  }
0x51: {  	_ =	shalt  }
0x52: {  	_ =	shalt  }
0x53: {  	_ =	shalt  }
0x54: {  	_ =	shalt  }
0x55: {  	_ =	shalt  }
0x56: {  	_ =	shalt  }
0x57: {  	_ =	shalt  }
0x58: {  	_ =	shalt  }
0x59: {  	_ =	shalt  }
0x5a: {  	_ =	shalt  }
0x5b: {  	_ =	shalt  }
0x5c: {  	_ =	shalt  }
0x5d: {  	_ =	shalt  }
0x5e: {  	_ =	shalt  }
0x5f: {  	_ =	shalt  }
0x60: {  	_ =	shalt  }
0x61: {  	_ =	shalt  }
0x62: {  	_ =	shalt  }
0x63: {  	_ =	shalt  }
0x64: {  	_ =	shalt  }
0x65: {  	_ =	shalt  }
0x66: {  	_ =	shalt  }
0x67: {  	_ =	shalt  }
0x68: {  	_ =	shalt  }
0x69: {  	_ =	shalt  }
0x6a: {  	_ =	shalt  }
0x6b: {  	_ =	shalt  }
0x6c: {  	_ =	shalt  }
0x6d: {  	_ =	shalt  }
0x6e: {  	_ =	shalt  }
0x6f: {  	_ =	shalt  }
0x70: {  	_ =	shalt  }
0x71: {  	_ =	shalt  }
0x72: {  	_ =	shalt  }
0x73: {  	_ =	shalt  }
0x74: {  	_ =	shalt  }
0x75: {  	_ =	shalt  }
0x76: {  	_ =	shalt  }
0x77: {  	_ =	shalt  }
0x78: {  	_ =	shalt  }
0x79: {  	_ =	shalt  }
0x7a: {  	_ =	shalt  }
0x7b: {  	_ =	shalt  }
0x7c: {  	_ =	shalt  }
0x7d: {  	_ =	shalt  }
0x7e: {  	_ =	shalt  }
0x7f: {  	_ =	shalt  }
0x80: {  	_ =	shalt  }
0x81: {  	_ =	shalt  }
0x82: {  	_ =	shalt  }
0x83: {  	_ =	shalt  }
0x84: {  	_ =	shalt  }
0x85: {  	_ =	shalt  }
0x86: {  	_ =	shalt  }
0x87: {  	_ =	shalt  }
.Lfunc_end0:
.L_simem_size_0:
called_computation_lowered:
.L_overlay_start_0:
0x88: {  	s2 =	sld [smem:$0x3FD9]  }
0x89: {  	s3 =	sld [smem:$0x3FFE];
	_ =	sdelay $0x1  }
0x8a: {  	s1 =	srdreg.scid  }
0x8b: {  	s0 =	sand.u32 $0x1, s1  }
0x8c: {  	s17 =	sshll.u32 s0, $0xA;
	s2 =	sadd.s32 s3, s2  }
0x8d: {  	s2 =	sadd.s32 s2, s17  }
0x8e: {  	[smem:$0x3FBA] =	sst s2  }
0x8f: {  	_ = 	snop  }
0x90: {  	s2 =	sld [smem:$0x3FC9]  }
0x91: {  	s18 =	sld [smem:$0x3FC7];
	(tm) =	ssettm $0x1  }
0x92: {  	s4 =	sld [smem:$0x3FFB];
	_ =	sdelay $0x3  }
0x93: {  	_ =	strace s4  }
0x94: {  	s4 =	sld [smem:$0x3FFC];
	_ =	sdelay $0x3  }
0x95: {  	_ =	strace s4  }
0x96: {  	s4 =	sld [smem:$0x3FFD];
	_ =	sdelay $0x3  }
0x97: {  	_ =	strace s4  }
0x98: {  	_ =	strace $0x8FFFFFFF  }
0x99: {  	s19 =	sld [smem:$0x3FDB];
	_ =	sdelay $0x1  }
0x9a: {  	s5 =	simm.s32 $_scs_section_size  }
0x9b: {  	s6 =	simm.s32 $_size__tile_overlayer_lowered;
	s7 =	simm.s32 $_tile_overlayer_lowered  }
0x9c: {  	s22 =	simm.s32 $0x1BFF;
	s21 =	sshll.u32 s7, $0x1;
	s4 =	sadd.s32 s5, s19  }
0x9d: {  	s8 =	simm.s32 $0x0;
	s20 =	sshll.u32 s6, $0x1;
	s6 =	sadd.s32 s21, s4  }
0x9e: {  	[timem:s8], [sflag:s22] =	dma.local [hbm:s6], s20  }
0x9f: {  	_ =	swait.ge [sflag:s22], s20  }
0xa0: {  	s5 =	ssub.s32 $0x0, s20;
	[sflag:s22] =	ssyncset.done $0x0  }
0xa1: {  	[sflag:s22] =	ssyncadd.s32 s5;
	_ =	sdelay $0x1  }
0xa2: {  	s23 =	simm.s32 $0x1B8B  }
0xa3: {  	_ =	swait.ge [sflag:s23], $0x1  }
0xa4: {  	[sflag:s23] =	ssyncset.done $0x0  }
0xa5: {  	s25 =	simm.s32 $0x1B8E;
	s24 =	sld [smem:$0x3FFE];
	[sflag:s23] =	ssyncadd.s32 $0xFFFFFFFF  }
0xa6: {  	s26 =	simm.s32 $execute0_lowered;
	[smem:$0x3FD2] =	sst s25  }
0xa7: {  	s6 =	sshll.u32 s26, $0x1;
	_ =	strace $0x80000046;
	[dreg:$0x1] =	wrdreg $0xFFFFFFFF  }
0xa8: {  	s28 =	simm.s32 $_size_execute0_lowered;
	s4 =	sadd.s32 s4, s6;
	[dreg:$0x0] =	wrdreg $0x0  }
0xa9: {  	s6 =	sshll.u32 s28, $0x1;
	[dreg:$0x2] =	wrdreg s4  }
0xaa: {  	[dreg:$0x3] =	wrdreg s6  }
0xab: {  	[dreg:$0x4] =	wrdreg $0xC0  }
0xac: {  	_ =	task [dreg:s8], $0x5FFFF  }
0xad: {  	[dreg:$0x1] =	wrdreg $0xFFFFFFFF  }
0xae: {  	[dreg:$0x0] =	wrdreg $0x60  }
0xaf: {  	[dreg:$0x2] =	wrdreg s24  }
0xb0: {  	[dreg:$0x3] =	wrdreg s18  }
0xb1: {  	[dreg:$0x4] =	wrdreg s2  }
0xb2: {  	[dreg:$0x5] =	wrdreg $0x9  }
0xb3: {  	_ =	task.clear_ibuf [dreg:s8], $0x6FFFF;
	_ =	strace $0x90000046  }
0xb4: {  	s29 =	simm.s32 $0x9;
	_ =	strace $0x80000048  }
0xb5: {  	_ =	swait.ge [sflag:s29], $0x1  }
0xb6: {  	[sflag:s29] =	ssyncadd.s32 $0xFFFFFFFF  }
0xb7: {  	_ =	strace $0x90000048  }
0xb8: {  	_ =	sfence  }
0xb9: {  	s30 =	sld [smem:$0x0];
	_ =	sdelay $0x2  }
0xba: {  	s31 =	sshll.u32 s1, $0xD;
	s1 =	sshrl.u32 s1, $0x2  }
0xbb: {  	s3 =	sand.u32 $0x4000, s31;
	s1 =	sadd.s32 s1, s30  }
0xbc: {  	s0 =	sor.u32 s3, s0;
	s1 =	sshll.u32 s1, $0x11  }
0xbd: {  	s0 =	sor.u32 s1, s0  }
0xbe: {  	s0 =	sadd.s32 $0x8F2B, s0  }
0xbf: {  	[sflag:s0] =	ssyncadd.remote.s32 $0x1  }
0xc0: {  	_ =	sfence.sel $0xFFFF  }
0xc1: {  	[dreg:$0x0] =	wrdreg $0xFFFFFFFF;
	(pc) =	sbr.abs _section_cstart, $3  }
0xc2: {  	[dreg:$0x1] =	wrdreg $0xFFFFFFFF  }
0xc3: {  	_ =	task.clear_ibuf [dreg:s8], $0x2FFFF;
	_ =	strace $0x9FFFFFFF  }
0xc4: {  	(tm) =	ssettm $0x7FFFFFFF  }
0xc5: {  	_ =	shalt  }
tec
execute0_lowered:
.L_overlay_start_1:
0x0: {  	(tag) =	ssettag $0x1  }
0x1: {  	v0 =	vimm.s32 $0x4380;
	vm0 =	vcmask $0x300;
	s1 =	srdreg.scid  }
0x2: {  	s6 =	rddreg [dreg:$0x0];
	s0 =	stileid.u32;
	v0 =	vsel vm0, $0x0, v0;
	vm0 =	vcmask $0x704  }
0x3: {  	s7 =	rddreg [dreg:$0x2];
	s3 =	simm.s32 $0x0;
	s4 =	simm.s32 $0x1;
	v0 =	vsel vm0, $0x80, v0;
	vm0 =	vcmask $0xB08  }
0x4: {  	s5 =	simm.s32 $0x1;
	s14 =	simm.s32 $0x19080;
	s8 =	sand.u32 $0x1, s1;
	v0 =	vsel vm0, $0x100, v0;
	vm0 =	vcmask $0xF0C  }
0x5: {  	s15 =	simm.s32 $0x19880;
	s16 =	simm.s32 $0x1A080;
	s2 =	sor.u32 s8, s0;
	v0 =	vsel vm0, $0x180, v0;
	vm0 =	vcmask $0x1310  }
0x6: {  	s17 =	simm.s32 $0x1A880;
	p1 =	seq.s32 s8, $0x1;
	p0 =	seq.s32 s2, $0x0;
	v0 =	vsel vm0, $0x200, v0;
	vm0 =	vcmask $0x1714  }
0x7: {  	s18 =	simm.s32 $0x1B080;
	s1 =	rddreg [dreg:$0x1];
	p0 =	por !p0, !p1;
	v0 =	vsel vm0, $0x280, v0;
	vm0 =	vcmask $0x1B18  }
0x8: {  	s19 =	simm.s32 $0x1B880;
	[smem:$0x7FF] =	sst s3;
	p0 =	por !p0, !p0;
	v0 =	vsel vm0, $0x300, v0;
	vm0 =	vcmask $0x1F1C  }
0x9: {  	v2 =	vimm.s32 $0x0;
	s11 =	ssub.s32 $0x2, s8;
	s31 =	sshll.u32 s8, $0xA;
	s4 =	simm.s32 @!p0 $0x0;
	v0 =	vsel vm0, $0x380, v0;
	vm0 =	vcmask $0x2320  }
0xa: {  	v6 =	vlaneseq.u32;
	s21 =	sshll.u32 s8, $0xF;
	s2 =	rddreg [dreg:$0x3];
	s10 =	ssub.s32 s0, s4;
	v0 =	vsel vm0, $0x4000, v0;
	vm0 =	vcmask $0x2724  }
0xb: {  	v3 =	vmul.u32 $0x10, v6;
	_ =	strace $0x80000047;
	s12 =	sshrl.u32 s11, $0x1;
	s9 =	sshll.u32 s10, $0x10;
	v0 =	vsel vm0, $0x4080, v0;
	vm0 =	vcmask $0x2B28  }
0xc: {  	v5 =	vshrl.u32 v6, $0x3;
	s8 =	sor.u32 $0x30, s31;
	s11 =	ssub.s32 s11, s12;
	s9 =	sand.u32 $0x1FFF0000, s9;
	v0 =	vsel vm0, $0x4100, v0;
	vm0 =	vcmask $0x2F2C  }
0xd: {  	v4 =	vand.u32 $0x7, v6;
	s12 =	simm.s32 $0x18080;
	s4 =	sadd.s32 $0x2000, s6;
	s13 =	sadd.s32 s9, s6;
	v0 =	vsel vm0, $0x4180, v0;
	vm0 =	vcmask $0x3330  }
0xe: {  	v6 =	vor.u32 $0x8, v6;
	s6 =	sadd.s32 s7, s9;
	s7 =	smax.u32 s11, $0x1;
	s9 =	simm.s32 $0x2;
	v1 =	vsel vm0, $0x4200, v0;
	vm0 =	vcmask $0x3734  }
0xf: {  	v5 =	vmul.u32 $0x8, v5;
	s11 =	simm.s32 $0x10000;
	s20 =	sadd.s32 $0x3000, s13;
	s13 =	simm.s32 $0x18880;
	v1 =	vsel vm0, $0x4280, v1;
	vm0 =	vcmask $0x3B38  }
0x10: {  	s20 =	sadd.s32 s20, s21;
	s21 =	simm.s32 $0x0;
	v0 =	vmov s10;
	s10 =	simm.s32 $0x8000;
	v1 =	vsel vm0, $0x4300, v1;
	vm0 =	vmmov $0xffff  }
.LBB2_1:
0x11: {  	[tilespmem:s3], [sflag:$0x2] =	stream.linear.gather [hbm4b:s4+s3], $0x8000, $0x38;
	[tilespmem:$0x1C080] =	vst v63  }
0x12: {  	_ =	swait.ge [sflag:s9], $0x8000  }
0x13: {  	[sflag:s9] =	ssyncset.done $0x0  }
0x14: {  	[sflag:s9] =	ssyncadd.s32 $0xFFFF8000  }
0x15: {  	[tilespmem:s10], [sflag:$0x2] =	stream.linear.gather [hbm4b:s1+s3], $0x8000, $0x38;
	[tilespmem:$0x1C080] =	vst v63  }
0x16: {  	_ =	swait.ge [sflag:s9], $0x8000  }
0x17: {  	[sflag:s9] =	ssyncset.done $0x0  }
0x18: {  	[sflag:s9] =	ssyncadd.s32 $0xFFFF8000  }
0x19: {  	s22 =	simm.s32 $0x40;
	v7 =	vimm.s32 $0x0;
	[tilespmem:$0x10000] =	vst v2  }
.LBB2_2:
0x1a: {  	v8 =	vshll.u32 v7, $0x3  }
0x1b: {  	v9 =	vand.u32 $0x7F, v7;
	v8 =	vand.u32 $0xFFFFFC00, v8  }
0x1c: {  	v8 =	vor.u32 v9, v8  }
0x1d: {  	v8 =	vadd.s32 v1, v8;
	_ =	sdelay $0x2  }
0x1e: {  	s23 =	sshra.s32 s22, $0x2  }
0x1f: {  	v63 =	vld [tilespmem:s23+$0x0]  }
0x20: {  	v8 =	vld.idx.msk [tilespmem:v8+s10+$0x0], $0xffff;
	_ =	sdelay $0x2  }
0x21: {  	p0 =	sne.s32 s22, $0x1FFC0  }
.Ltmp0:
0x22: {  	_ = 	snop;
	(pc) =	sbr.rel @p0 .LBB2_2-.Ltmp0, $4  }
0x23: {  	vm1 =	vne.s32 v63, v8  }
0x24: {  	v8 =	vsel vm1, $0x1, v2  }
0x25: {  	v7 =	vadd.s32 v8, v7  }
0x26: {  	s22 =	sadd.s32 $0x40, s22;
	[tilespmem:s23+$0x10000] =	vst v7  }
0x27: {  	s22 =	simm.s32 $0x0;
	s23 =	smov.u32 s8  }
.LBB2_4:
0x28: {  	s24 =	sadd.s32 $0xFFFFFFD0, s23  }
0x29: {  	v7 =	vmov s24  }
0x2a: {  	v7 =	vshll.u32 v7, $0x4  }
0x2b: {  	v7 =	vor.u32 v3, v7  }
0x2c: {  	v7 =	vadd.s32 v0, v7;
	_ =	sdelay $0x1  }
0x2d: {  	s29 =	sadd.s32 $0xFFFFFFE0, s23  }
0x2e: {  	v8 =	vmov s29  }
0x2f: {  	v8 =	vshll.u32 v8, $0x4  }
0x30: {  	v8 =	vor.u32 v3, v8;
	v7 =	vld.idx.msk [tilespmem:v7+s11+$0x0], $0xffff  }
0x31: {  	v8 =	vadd.s32 v0, v8;
	_ =	sdelay $0x1  }
0x32: {  	s30 =	sadd.s32 $0xFFFFFFF0, s23  }
0x33: {  	v9 =	vmov s30  }
0x34: {  	v9 =	vshll.u32 v9, $0x4;
	[tilespmem:$0x18000] =	vst v7  }
0x35: {  	v9 =	vor.u32 v3, v9;
	v8 =	vld.idx.msk [tilespmem:v8+s11+$0x0], $0xffff  }
0x36: {  	v9 =	vadd.s32 v0, v9;
	_ =	sdelay $0x2  }
0x37: {  	v10 =	vmov s23  }
0x38: {  	[tilespmem:$0x18010] =	vst v8;
	v8 =	vshll.u32 v10, $0x4  }
0x39: {  	v9 =	vld.idx.msk [tilespmem:v9+s11+$0x0], $0xffff;
	v8 =	vor.u32 v3, v8  }
0x3a: {  	v8 =	vadd.s32 v0, v8  }
0x3b: {  	v62 =	vshll.u32 v7, $0x1  }
0x3c: {  	v7 =	vand.u32 $0x7, v7;
	v10 =	vand.u32 $0xFFFFFFF0, v62  }
0x3d: {  	v7 =	vor.u32 v7, v10  }
0x3e: {  	v63 =	vperm.xlane v7, v4;
	[tilespmem:$0x18020] =	vst v9  }
0x3f: {  	v8 =	vld.idx.msk [tilespmem:v8+s11+$0x0], $0xffff  }
0x40: {  	v7 =	vperm.xlane v7, v6;
	v9 =	vadd.s32 v5, v63;
	_ =	sdelay $0x1  }
0x41: {  	v7 =	vadd.s32 v5, v7;
	_ =	sdelay $0x1  }
0x42: {  	[tilespmem:$0x18030] =	vst v8  }
0x43: {  	[tilespmem:s12], [sflag:$0x1] =	stream.indirect_vreg.gather [hbm4b:s6+s3], $0x80, v9, vm0, $0xb8;
	[tilespmem:$0x1C080] =	vst v63  }
0x44: {  	_ = 	snop  }
0x45: {  	[tilespmem:s13], [sflag:$0x1] =	stream.indirect_vreg.gather [hbm4b:s6+s3], $0x80, v7, vm0, $0xb8;
	[tilespmem:$0x1C080] =	vst v63  }
0x46: {  	v7 =	vld [tilespmem:$0x18010];
	_ =	sdelay $0x4  }
0x47: {  	v8 =	vshll.u32 v7, $0x1  }
0x48: {  	v7 =	vand.u32 $0x7, v7;
	v8 =	vand.u32 $0xFFFFFFF0, v8  }
0x49: {  	v7 =	vor.u32 v7, v8  }
0x4a: {  	v8 =	vperm.xlane v7, v4;
	_ =	sdelay $0x1  }
0x4b: {  	v7 =	vperm.xlane v7, v6;
	v8 =	vadd.s32 v5, v8;
	_ =	sdelay $0x1  }
0x4c: {  	v7 =	vadd.s32 v5, v7;
	_ =	sdelay $0x2  }
0x4d: {  	[tilespmem:s14], [sflag:$0x1] =	stream.indirect_vreg.gather [hbm4b:s6+s3], $0x80, v8, vm0, $0xb8;
	[tilespmem:$0x1C080] =	vst v63  }
0x4e: {  	_ = 	snop  }
0x4f: {  	[tilespmem:s15], [sflag:$0x1] =	stream.indirect_vreg.gather [hbm4b:s6+s3], $0x80, v7, vm0, $0xb8;
	[tilespmem:$0x1C080] =	vst v63  }
0x50: {  	v7 =	vld [tilespmem:$0x18020];
	_ =	sdelay $0x4  }
0x51: {  	v8 =	vshll.u32 v7, $0x1  }
0x52: {  	v7 =	vand.u32 $0x7, v7;
	v8 =	vand.u32 $0xFFFFFFF0, v8  }
0x53: {  	v7 =	vor.u32 v7, v8  }
0x54: {  	v8 =	vperm.xlane v7, v4;
	_ =	sdelay $0x1  }
0x55: {  	v7 =	vperm.xlane v7, v6;
	v8 =	vadd.s32 v5, v8;
	_ =	sdelay $0x1  }
0x56: {  	v7 =	vadd.s32 v5, v7;
	_ =	sdelay $0x2  }
0x57: {  	[tilespmem:s16], [sflag:$0x1] =	stream.indirect_vreg.gather [hbm4b:s6+s3], $0x80, v8, vm0, $0xb8;
	[tilespmem:$0x1C080] =	vst v63  }
0x58: {  	_ = 	snop  }
0x59: {  	[tilespmem:s17], [sflag:$0x1] =	stream.indirect_vreg.gather [hbm4b:s6+s3], $0x80, v7, vm0, $0xb8;
	[tilespmem:$0x1C080] =	vst v63  }
0x5a: {  	v7 =	vld [tilespmem:$0x18030];
	_ =	sdelay $0x4  }
0x5b: {  	v8 =	vshll.u32 v7, $0x1  }
0x5c: {  	v7 =	vand.u32 $0x7, v7;
	v8 =	vand.u32 $0xFFFFFFF0, v8  }
0x5d: {  	v7 =	vor.u32 v7, v8  }
0x5e: {  	v8 =	vperm.xlane v7, v4;
	_ =	sdelay $0x1  }
0x5f: {  	v7 =	vperm.xlane v7, v6;
	v8 =	vadd.s32 v5, v8;
	_ =	sdelay $0x1  }
0x60: {  	v7 =	vadd.s32 v5, v7;
	_ =	sdelay $0x2  }
0x61: {  	[tilespmem:s18], [sflag:$0x1] =	stream.indirect_vreg.gather [hbm4b:s6+s3], $0x80, v8, vm0, $0xb8;
	[tilespmem:$0x1C080] =	vst v63  }
0x62: {  	_ = 	snop  }
0x63: {  	[tilespmem:s19], [sflag:$0x1] =	stream.indirect_vreg.gather [hbm4b:s6+s3], $0x80, v7, vm0, $0xb8;
	[tilespmem:$0x1C080] =	vst v63  }
0x64: {  	_ =	swait.ge [sflag:s5], $0x4000  }
0x65: {  	p0 =	sne.s32 s22, $0x7800;
	[sflag:s5] =	ssyncset.done $0x0  }
.Ltmp1:
0x66: {  	s31 =	sadd.s32 s22, s20;
	[sflag:s5] =	ssyncadd.s32 $0xFFFFC000;
	(pc) =	sbr.rel @p0 .LBB2_4-.Ltmp1, $4  }
0x67: {  	[hbm4b:s31+s3] =	stream.linear.scatter [tilespmem:s12], [sflag:$0x2], $0x4000, $0x38;
	[tilespmem:$0x1C080] =	vst v63  }
0x68: {  	_ =	swait.ge [sflag:s9], $0x4000  }
0x69: {  	[sflag:s9] =	ssyncset.done $0x0  }
0x6a: {  	s23 =	sadd.s32 $0x40, s23;
	s22 =	sadd.s32 $0x800, s22;
	[sflag:s9] =	ssyncadd.s32 $0xFFFFC000  }
0x6b: {  	s21 =	sadd.s32 $0x1, s21  }
0x6c: {  	p0 =	sne.s32 s21, s7  }
.Ltmp2:
0x6d: {  	_ = 	snop;
	(pc) =	sbr.rel @p0 .LBB2_1-.Ltmp2, $1  }
0x6e: {  	_ =	sdelay $0x3  }
0x6f: {  	_ =	sfence.sel $0x180000  }
0x70: {  	[bflag:$0x0] =	sbarrier.arrive $0xFFFF  }
0x71: {  	p0 =	sne.s32 s0, $0x0;
	_ =	strace $0x90000047  }
0x72: {  	s0 =	sadd.s32 @!p0 $0x100000, s2;
	[bflag:$0x2] =	sbarrier.arrive $0xFFFF  }
0x73: {  	[sflag:s0] =	ssyncadd.tile.s32 @!p0 $0x1;
	_ =	shalt  }
.Lfunc_end2:
_tile_overlayer_lowered:
.L_overlay_start_2:
0x74: {  	(tag) =	ssettag $0x2  }
0x75: {  	s0 =	rddreg [dreg:$0x0];
	s2 =	stileid.u32  }
0x76: {  	s1 =	rddreg [dreg:$0x1];
	p0 =	sne.s32 s2, $0x0  }
0x77: {  	s3 =	rddreg [dreg:$0x2];
	[bflag:$0x3] =	sbarrier.arrive $0xFFFF;
	s2 =	simm.s32 @!p0 $0x1C02  }
0x78: {  	[timem:s3], [sflag:s2] =	dma.local @!p0 [hbm:s0], s1  }
0x79: {  	s0 =	simm.s32 @!p0 $0x2  }
0x7a: {  	_ =	swait.ge @!p0 [sflag:s0], s1  }
0x7b: {  	s1 =	ssub.s32 @!p0 $0x0, s1;
	[sflag:s0] =	ssyncset.done @!p0 $0x0  }
0x7c: {  	[sflag:s0] =	ssyncadd.s32 @!p0 s1  }
0x7d: {  	[bflag:$0x3] =	sbarrier.arrive $0xFFFF  }
0x7e: {  	_ =	shalt  }

</sc_bundles>
